<compile_context>
chip_gen: v7x
topology: tpu7x:2x2x1
jax: 0.10.2.dev20260603
libtpu: 0.0.44.dev20260713+nightly
codegen_flags: <defaults>
</compile_context>

<pallas_src>
import functools

import jax
import jax.numpy as jnp
from jax import lax
from jax.experimental import pallas as pl
from jax.experimental.pallas import tpu as pltpu
from jax.experimental.pallas import tpu_sc as plsc


def _sc_gather_sum(table, flat_idx, n_groups, rows_per_group, d):
    info = plsc.get_sparse_core_info()
    nc = info.num_cores
    mesh = plsc.VectorSubcoreMesh(core_axis_name="c", subcore_axis_name="s")

    @functools.partial(
        pl.kernel,
        mesh=mesh,
        out_type=jax.ShapeDtypeStruct((n_groups, d), jnp.float32),
        scratch_types=[
            pltpu.VMEM((rows_per_group,), jnp.int32),
            pltpu.VMEM((rows_per_group, d), jnp.float32),
            pltpu.VMEM((d,), jnp.float32),
            pltpu.SemaphoreType.DMA,
        ],
    )
    def gather_kernel(table_hbm, idx_hbm, out_hbm, idx_v, rows_v, acc_v, sem):
        wid = lax.axis_index("s") * nc + lax.axis_index("c")

        @pl.when(wid < n_groups)
        def _():
            base = wid * rows_per_group
            pltpu.sync_copy(idx_hbm.at[pl.ds(base, rows_per_group)], idx_v)
            pltpu.async_copy(table_hbm.at[idx_v], rows_v, sem).wait()

            def body(i, carry):
                sl = pl.ds(i * 16, 16)
                acc = rows_v[0, sl]
                for r in range(1, rows_per_group):
                    acc = acc + rows_v[r, sl]
                acc_v[sl] = acc
                return carry

            lax.fori_loop(0, d // 16, body, 0)
            pltpu.sync_copy(acc_v, out_hbm.at[wid])

    return gather_kernel(table, flat_idx)


def _attn_body(e_ref, h_ref, o_ref):
    hb = h_ref[0]
    e12 = e_ref[0]
    s = lax.dot_general(
        hb, e12, (((1,), (1,)), ((), ())),
        preferred_element_type=jnp.float32,
    )
    p = jnp.exp(s - jnp.max(s, axis=0, keepdims=True))
    w = p / jnp.sum(p, axis=0, keepdims=True)
    o_ref[0, 0] = 0.5 * jnp.sum(w, axis=1)


def kernel(input_embed_M, e1_index, e2_index):
    B, S, D = input_embed_M.shape
    K = e1_index.shape[-1]
    eidx = jnp.concatenate(
        [e1_index.astype(jnp.int32), e2_index.astype(jnp.int32)], axis=1
    )
    flat_idx = (
        eidx + (jnp.arange(B, dtype=jnp.int32) * S)[:, None]
    ).reshape(B * 2 * K)
    table = input_embed_M.reshape(B * S, D)
    embeds = _sc_gather_sum(table, flat_idx, B * 2, K, D)
    e = embeds.reshape(B, 2, D)
    out = pl.pallas_call(
        _attn_body,
        grid=(B,),
        in_specs=[
            pl.BlockSpec((1, 2, D), lambda b: (b, 0, 0)),
            pl.BlockSpec((1, S, D), lambda b: (b, 0, 0)),
        ],
        out_specs=pl.BlockSpec((1, 1, S), lambda b: (b, 0, 0)),
        out_shape=jax.ShapeDtypeStruct((B, 1, S), jnp.float32),
    )(e, input_embed_M)
    return out[:, 0, :]

# --- scband reference (transcript-rebuilt; emitter-appended) ---
"""Pipeline reference for scband-dot-attn-7705171329749 (READ-ONLY COPY).

The authoritative reference and input builder live on the scoring server;
editing this copy changes nothing except your own understanding.
"""

import jax, jax.numpy as jnp
import numpy as np


def setup_inputs(seed: int = 0) -> dict:
    key = jax.random.key(seed)
    k1, k2, k3 = jax.random.split(key, 3)
    B, S, D, K = 4, 2048, 1024, 8
    input_embed_M = jax.random.normal(k1, (B, S, D), dtype=jnp.float32)
    e1_index = jax.random.randint(k2, (B, K), 0, S, dtype=jnp.int64)
    e2_index = jax.random.randint(k3, (B, K), 0, S, dtype=jnp.int64)
    return {"input_embed_M": input_embed_M, "e1_index": e1_index, "e2_index": e2_index}


def _entity_embed(h, idx):
    # h: [B, S, D], idx: [B, K] -> gather rows per batch, sum over K ('sum' catOverTime)
    gathered = jnp.take_along_axis(h, idx[:, :, None], axis=1)  # [B, K, D]
    return gathered.sum(axis=1)  # [B, D]


def reference(input_embed_M, e1_index, e2_index):
    e1_embed = _entity_embed(input_embed_M, e1_index)  # [B, D]
    e2_embed = _entity_embed(input_embed_M, e2_index)  # [B, D]
    # bmm(input_embed_M, e_embed.unsqueeze(2)).squeeze(2) == einsum bsd,bd->bs
    s1 = jnp.einsum('bsd,bd->bs', input_embed_M, e1_embed)
    s2 = jnp.einsum('bsd,bd->bs', input_embed_M, e2_embed)
    e1_dot_weight = jax.nn.softmax(s1, axis=1)
    e2_dot_weight = jax.nn.softmax(s2, axis=1)
    dot_weight = (e1_dot_weight + e2_dot_weight) / 2.0
    return dot_weight

if __name__ == "__main__":
    import jax
    _d = setup_inputs()
    print(jax.jit(kernel)(*tuple(_d.values())))

</pallas_src>

<mosaic_0001>
#map = affine_map<(d0, d1) -> (0, 0)>
#map1 = affine_map<(d0, d1) -> (0)>
module attributes {stable_mosaic.version = 14 : i64} {
  func.func @gather_kernel(%arg0: i32, %arg1: i32, %arg2: memref<8192x1024xf32, #tpu.memory_space<hbm>>, %arg3: memref<64xi32, #tpu.memory_space<hbm>>, %arg4: memref<8x1024xf32, #tpu.memory_space<hbm>>, %arg5: memref<8xi32, #tpu.memory_space<vmem>>, %arg6: memref<8x1024xf32, #tpu.memory_space<vmem>>, %arg7: memref<1024xf32, #tpu.memory_space<vmem>>, %arg8: memref<!tpu.dma_semaphore, #tpu.memory_space<semaphore_mem>>) attributes {dimension_semantics = [#tpu.dimension_semantics<core_parallel>, #tpu.dimension_semantics<subcore_parallel>], iteration_bounds = array<i64: 2, 16>, scalar_prefetch = 0 : i64, scratch_operands = 4 : i64, tpu.core_type = #tpu.core_type<sc_vector_subcore>, window_params = [{transform_indices = #map}, {transform_indices = #map1}, {transform_indices = #map}]} {
    %mul3A = arith.constant 2 : i32
    %mul3A_0 = arith.muli %arg1, %mul3A : i32
    %add3A = arith.addi %mul3A_0, %arg0 : i32
    %lt3A = arith.constant 8 : i32
    %lt3A_1 = arith.cmpi slt, %add3A, %lt3A : i32
    %convert_element_type3A = arith.extui %lt3A_1 : i1 to i32
    %cond3A = arith.constant 0 : i32
    %cond3A_2 = arith.cmpi ne, %convert_element_type3A, %cond3A : i32
    scf.if %cond3A_2 {
      %mul3A_3 = arith.constant 8 : i32
      %mul3A_4 = arith.muli %add3A, %mul3A_3 : i32
      "tpu.region"() ({
        %run_scoped3A = tpu.sem_alloc : memref<!tpu.dma_semaphore, #tpu.memory_space<semaphore_mem>>
        %dma_start3A_14 = tpu.memref_slice %arg3[%mul3A_4] : memref<64xi32, #tpu.memory_space<hbm>> -> memref<8xi32, #tpu.memory_space<hbm>>
        %dma_start3A_15 = tpu.memref_slice %arg3[%mul3A_4] : memref<64xi32, #tpu.memory_space<hbm>> -> memref<8xi32, #tpu.memory_space<hbm>>
        tpu.enqueue_dma source(%dma_start3A_15 : memref<8xi32, #tpu.memory_space<hbm>>) target(%arg5 : memref<8xi32, #tpu.memory_space<vmem>>) target_semaphore(%run_scoped3A : memref<!tpu.dma_semaphore, #tpu.memory_space<semaphore_mem>>)
        %dma_wait3A_16 = tpu.memref_slice %arg3[%mul3A_4] : memref<64xi32, #tpu.memory_space<hbm>> -> memref<8xi32, #tpu.memory_space<hbm>>
        %dma_wait3A_17 = tpu.memref_slice %arg3[%mul3A_4] : memref<64xi32, #tpu.memory_space<hbm>> -> memref<8xi32, #tpu.memory_space<hbm>>
        tpu.wait_dma2 semaphore(%run_scoped3A : memref<!tpu.dma_semaphore, #tpu.memory_space<semaphore_mem>>) src(%dma_wait3A_17 : memref<8xi32, #tpu.memory_space<hbm>>) dst(%arg5 : memref<8xi32, #tpu.memory_space<vmem>>)
        tpu.yield
      }) : () -> ()
      %dma_start3A = arith.constant 0 : i32
      %dma_start3A_5 = arith.constant 0 : i32
      %dma_start3A_6 = tpu.memref_slice %arg2[%dma_start3A, %dma_start3A_5] : memref<8192x1024xf32, #tpu.memory_space<hbm>> -> memref<8192x1024xf32, #tpu.memory_space<hbm>>
      tpu.enqueue_indirect_dma source(%dma_start3A_6 : memref<8192x1024xf32, #tpu.memory_space<hbm>>) target(%arg6 : memref<8x1024xf32, #tpu.memory_space<vmem>>) offsets(%arg5 : memref<8xi32, #tpu.memory_space<vmem>>) semaphore(%arg8 : memref<!tpu.dma_semaphore, #tpu.memory_space<semaphore_mem>>)
      %dma_wait3A = arith.constant 0 : i32
      %dma_wait3A_7 = arith.constant 0 : i32
      %dma_wait3A_8 = tpu.memref_slice %arg2[%dma_wait3A, %dma_wait3A_7] : memref<8192x1024xf32, #tpu.memory_space<hbm>> -> memref<8192x1024xf32, #tpu.memory_space<hbm>>
      tpu.wait_indirect_dma semaphore(%arg8 : memref<!tpu.dma_semaphore, #tpu.memory_space<semaphore_mem>>) src(%dma_wait3A_8 : memref<8192x1024xf32, #tpu.memory_space<hbm>>) dst(%arg6 : memref<8x1024xf32, #tpu.memory_space<vmem>>)
      %scan3A = arith.constant 0 : i32
      %scan3A_9 = arith.constant 0 : i32
      %scan3A_10 = arith.constant 64 : i32
      %scan3A_11 = arith.addi %scan3A_9, %scan3A_10 : i32
      %scan3A_12 = arith.constant 1 : i32
      scf.for %scan3A_14 = %scan3A_9 to %scan3A_11 step %scan3A_12  : i32 {
        %mul3A_15 = arith.constant 16 : i32
        %mul3A_16 = arith.muli %scan3A_14, %mul3A_15 : i32
        %get3A = arith.constant 0 : i32
        %get3A_17 = arith.index_cast %get3A : i32 to index
        %get3A_18 = arith.index_cast %mul3A_16 : i32 to index
        %get3A_19 = tpu.vector_load %arg6[%get3A_17, %get3A_18] {strides = array<i32>} : memref<8x1024xf32, #tpu.memory_space<vmem>>, vector<1x16xf32>,
        %get3A_20 = vector.shape_cast %get3A_19 : vector<1x16xf32> to vector<16xf32>
        %get3A_21 = arith.constant 1 : i32
        %get3A_22 = arith.index_cast %get3A_21 : i32 to index
        %get3A_23 = arith.index_cast %mul3A_16 : i32 to index
        %get3A_24 = tpu.vector_load %arg6[%get3A_22, %get3A_23] {strides = array<i32>} : memref<8x1024xf32, #tpu.memory_space<vmem>>, vector<1x16xf32>,
        %get3A_25 = vector.shape_cast %get3A_24 : vector<1x16xf32> to vector<16xf32>
        %add3A_26 = arith.addf %get3A_20, %get3A_25 : vector<16xf32>
        %get3A_27 = arith.constant 2 : i32
        %get3A_28 = arith.index_cast %get3A_27 : i32 to index
        %get3A_29 = arith.index_cast %mul3A_16 : i32 to index
        %get3A_30 = tpu.vector_load %arg6[%get3A_28, %get3A_29] {strides = array<i32>} : memref<8x1024xf32, #tpu.memory_space<vmem>>, vector<1x16xf32>,
        %get3A_31 = vector.shape_cast %get3A_30 : vector<1x16xf32> to vector<16xf32>
        %add3A_32 = arith.addf %add3A_26, %get3A_31 : vector<16xf32>
        %get3A_33 = arith.constant 3 : i32
        %get3A_34 = arith.index_cast %get3A_33 : i32 to index
        %get3A_35 = arith.index_cast %mul3A_16 : i32 to index
        %get3A_36 = tpu.vector_load %arg6[%get3A_34, %get3A_35] {strides = array<i32>} : memref<8x1024xf32, #tpu.memory_space<vmem>>, vector<1x16xf32>,
        %get3A_37 = vector.shape_cast %get3A_36 : vector<1x16xf32> to vector<16xf32>
        %add3A_38 = arith.addf %add3A_32, %get3A_37 : vector<16xf32>
        %get3A_39 = arith.constant 4 : i32
        %get3A_40 = arith.index_cast %get3A_39 : i32 to index
        %get3A_41 = arith.index_cast %mul3A_16 : i32 to index
        %get3A_42 = tpu.vector_load %arg6[%get3A_40, %get3A_41] {strides = array<i32>} : memref<8x1024xf32, #tpu.memory_space<vmem>>, vector<1x16xf32>,
        %get3A_43 = vector.shape_cast %get3A_42 : vector<1x16xf32> to vector<16xf32>
        %add3A_44 = arith.addf %add3A_38, %get3A_43 : vector<16xf32>
        %get3A_45 = arith.constant 5 : i32
        %get3A_46 = arith.index_cast %get3A_45 : i32 to index
        %get3A_47 = arith.index_cast %mul3A_16 : i32 to index
        %get3A_48 = tpu.vector_load %arg6[%get3A_46, %get3A_47] {strides = array<i32>} : memref<8x1024xf32, #tpu.memory_space<vmem>>, vector<1x16xf32>,
        %get3A_49 = vector.shape_cast %get3A_48 : vector<1x16xf32> to vector<16xf32>
        %add3A_50 = arith.addf %add3A_44, %get3A_49 : vector<16xf32>
        %get3A_51 = arith.constant 6 : i32
        %get3A_52 = arith.index_cast %get3A_51 : i32 to index
        %get3A_53 = arith.index_cast %mul3A_16 : i32 to index
        %get3A_54 = tpu.vector_load %arg6[%get3A_52, %get3A_53] {strides = array<i32>} : memref<8x1024xf32, #tpu.memory_space<vmem>>, vector<1x16xf32>,
        %get3A_55 = vector.shape_cast %get3A_54 : vector<1x16xf32> to vector<16xf32>
        %add3A_56 = arith.addf %add3A_50, %get3A_55 : vector<16xf32>
        %get3A_57 = arith.constant 7 : i32
        %get3A_58 = arith.index_cast %get3A_57 : i32 to index
        %get3A_59 = arith.index_cast %mul3A_16 : i32 to index
        %get3A_60 = tpu.vector_load %arg6[%get3A_58, %get3A_59] {strides = array<i32>} : memref<8x1024xf32, #tpu.memory_space<vmem>>, vector<1x16xf32>,
        %get3A_61 = vector.shape_cast %get3A_60 : vector<1x16xf32> to vector<16xf32>
        %add3A_62 = arith.addf %add3A_56, %get3A_61 : vector<16xf32>
        %swap3A = arith.index_cast %mul3A_16 : i32 to index
        %swap3A_63 = tpu.vector_load %arg7[%swap3A] {strides = array<i32>} : memref<1024xf32, #tpu.memory_space<vmem>>, vector<16xf32>,
        %swap3A_64 = vector.shape_cast %swap3A_63 : vector<16xf32> to vector<16xf32>
        %swap3A_65 = vector.shape_cast %add3A_62 : vector<16xf32> to vector<16xf32>
        tpu.vector_store %arg7[%swap3A], %swap3A_65 {strides = array<i32>} : memref<1024xf32, #tpu.memory_space<vmem>>, vector<16xf32>,
      }
      %scan3A_13 = arith.constant 64 : i32
      "tpu.region"() ({
        %run_scoped3A = tpu.sem_alloc : memref<!tpu.dma_semaphore, #tpu.memory_space<semaphore_mem>>
        %dma_start3A_14 = arith.constant 0 : i32
        %dma_start3A_15 = tpu.memref_slice %arg4[%add3A, %dma_start3A_14] : memref<8x1024xf32, #tpu.memory_space<hbm>> -> memref<1x1024xf32, #tpu.memory_space<hbm>>
        %dma_start3A_16 = tpu.memref_squeeze %dma_start3A_15 : memref<1x1024xf32, #tpu.memory_space<hbm>> -> memref<1024xf32, #tpu.memory_space<hbm>>
        %dma_start3A_17 = arith.constant 0 : i32
        %dma_start3A_18 = tpu.memref_slice %arg4[%add3A, %dma_start3A_17] : memref<8x1024xf32, #tpu.memory_space<hbm>> -> memref<1x1024xf32, #tpu.memory_space<hbm>>
        %dma_start3A_19 = tpu.memref_squeeze %dma_start3A_18 : memref<1x1024xf32, #tpu.memory_space<hbm>> -> memref<1024xf32, #tpu.memory_space<hbm>>
        tpu.enqueue_dma source(%arg7 : memref<1024xf32, #tpu.memory_space<vmem>>) target(%dma_start3A_19 : memref<1024xf32, #tpu.memory_space<hbm>>) target_semaphore(%run_scoped3A : memref<!tpu.dma_semaphore, #tpu.memory_space<semaphore_mem>>)
        %dma_wait3A_20 = arith.constant 0 : i32
        %dma_wait3A_21 = tpu.memref_slice %arg4[%add3A, %dma_wait3A_20] : memref<8x1024xf32, #tpu.memory_space<hbm>> -> memref<1x1024xf32, #tpu.memory_space<hbm>>
        %dma_wait3A_22 = tpu.memref_squeeze %dma_wait3A_21 : memref<1x1024xf32, #tpu.memory_space<hbm>> -> memref<1024xf32, #tpu.memory_space<hbm>>
        %dma_wait3A_23 = arith.constant 0 : i32
        %dma_wait3A_24 = tpu.memref_slice %arg4[%add3A, %dma_wait3A_23] : memref<8x1024xf32, #tpu.memory_space<hbm>> -> memref<1x1024xf32, #tpu.memory_space<hbm>>
        %dma_wait3A_25 = tpu.memref_squeeze %dma_wait3A_24 : memref<1x1024xf32, #tpu.memory_space<hbm>> -> memref<1024xf32, #tpu.memory_space<hbm>>
        tpu.wait_dma2 semaphore(%run_scoped3A : memref<!tpu.dma_semaphore, #tpu.memory_space<semaphore_mem>>) src(%arg7 : memref<1024xf32, #tpu.memory_space<vmem>>) dst(%dma_wait3A_25 : memref<1024xf32, #tpu.memory_space<hbm>>)
        tpu.yield
      }) : () -> ()
    } else {
    }
    return
  }
}

module attributes {stable_mosaic.version = 14 : i64} {
  func.func @_attn_body(%arg0: i32, %arg1: memref<1x2x1024xf32, #tpu.memory_space<vmem>>, %arg2: memref<1x2048x1024xf32, #tpu.memory_space<vmem>>, %arg3: memref<1x1x2048xf32, #tpu.memory_space<vmem>>) attributes {dimension_semantics = [#tpu.dimension_semantics<arbitrary>], iteration_bounds = array<i64: 4>, scalar_prefetch = 0 : i64, scratch_operands = 0 : i64, tpu.core_type = #tpu.core_type<tc>, window_params = [{transform_indices = @transform_0, window_bounds = array<i64: 1, 2, 1024>}, {transform_indices = @transform_1, window_bounds = array<i64: 1, 2048, 1024>}, {transform_indices = @transform_2, window_bounds = array<i64: 1, 1, 2048>}]} {
    %get3A = arith.constant 0 : index
    %get3A_0 = arith.constant 0 : index
    %get3A_1 = arith.constant 0 : index
    %get3A_2 = vector.load %arg2[%get3A, %get3A_0, %get3A_1] : memref<1x2048x1024xf32, #tpu.memory_space<vmem>>, vector<1x2048x1024xf32>
    %get3A_3 = vector.shape_cast %get3A_2 : vector<1x2048x1024xf32> to vector<2048x1024xf32>
    %get3A_4 = arith.constant 0 : index
    %get3A_5 = arith.constant 0 : index
    %get3A_6 = arith.constant 0 : index
    %get3A_7 = vector.load %arg1[%get3A_4, %get3A_5, %get3A_6] : memref<1x2x1024xf32, #tpu.memory_space<vmem>>, vector<1x2x1024xf32>
    %get3A_8 = vector.shape_cast %get3A_7 : vector<1x2x1024xf32> to vector<2x1024xf32>
    %dot_general3A = arith.constant dense<0.000000e+00> : vector<2048x2xf32>
    %dot_general3A_9 = tpu.matmul %get3A_3, %get3A_8, %dot_general3A {dimension_numbers = #tpu.dot_dimension_numbers<[1], [1], [0], [0], [0, 0, 1, 0], [], []>, transpose_lhs_hint = false} : vector<2048x1024xf32>, vector<2x1024xf32>, vector<2048x2xf32> -> vector<2048x2xf32>
    %reduce_max3A = arith.constant dense<0xFF800000> : vector<2xf32>
    %reduce_max3A_10 = vector.multi_reduction <maximumf>, %dot_general3A_9, %reduce_max3A [0] : vector<2048x2xf32> to vector<2xf32>
    %broadcast_in_dim3A = vector.shape_cast %reduce_max3A_10 : vector<2xf32> to vector<1x2xf32>
    %sub3A = vector.broadcast %broadcast_in_dim3A : vector<1x2xf32> to vector<2048x2xf32>
    %sub3A_11 = arith.subf %dot_general3A_9, %sub3A : vector<2048x2xf32>
    %exp3A = math.exp %sub3A_11 : vector<2048x2xf32>
    %reduce_sum3A = arith.constant dense<0.000000e+00> : vector<2xf32>
    %reduce_sum3A_12 = vector.multi_reduction <add>, %exp3A, %reduce_sum3A [0] : vector<2048x2xf32> to vector<2xf32>
    %broadcast_in_dim3A_13 = vector.shape_cast %reduce_sum3A_12 : vector<2xf32> to vector<1x2xf32>
    %div3A = vector.broadcast %broadcast_in_dim3A_13 : vector<1x2xf32> to vector<2048x2xf32>
    %div3A_14 = arith.divf %exp3A, %div3A : vector<2048x2xf32>
    %reduce_sum3A_15 = arith.constant dense<0.000000e+00> : vector<2048xf32>
    %reduce_sum3A_16 = vector.multi_reduction <add>, %div3A_14, %reduce_sum3A_15 [1] : vector<2048x2xf32> to vector<2048xf32>
    %mul3A = arith.constant 5.000000e-01 : f32
    %mul3A_17 = vector.broadcast %mul3A : f32 to vector<2048xf32>
    %mul3A_18 = arith.mulf %mul3A_17, %reduce_sum3A_16 : vector<2048xf32>
    %swap3A = arith.constant 0 : index
    %swap3A_19 = arith.constant 0 : index
    %swap3A_20 = arith.constant 0 : index
    %swap3A_21 = vector.load %arg3[%swap3A, %swap3A_19, %swap3A_20] : memref<1x1x2048xf32, #tpu.memory_space<vmem>>, vector<1x1x2048xf32>
    %swap3A_22 = vector.shape_cast %swap3A_21 : vector<1x1x2048xf32> to vector<2048xf32>
    %swap3A_23 = vector.shape_cast %mul3A_18 : vector<2048xf32> to vector<1x1x2048xf32>
    tpu.vector_store %arg3[%swap3A, %swap3A_19, %swap3A_20], %swap3A_23 {strides = array<i32>} : memref<1x1x2048xf32, #tpu.memory_space<vmem>>, vector<1x1x2048xf32>,
    return
  }
  func.func @transform_0(%arg0: i32) -> (i32, i32, i32) {
    %c0_i32 = arith.constant 0 : i32
    %c0_i32_0 = arith.constant 0 : i32
    %c0_i32_1 = arith.constant 0 : i32
    return %arg0, %c0_i32, %c0_i32_0 : i32, i32, i32
  }
  func.func @transform_1(%arg0: i32) -> (i32, i32, i32) {
    %c0_i32 = arith.constant 0 : i32
    %c0_i32_0 = arith.constant 0 : i32
    %c0_i32_1 = arith.constant 0 : i32
    return %arg0, %c0_i32, %c0_i32_0 : i32, i32, i32
  }
  func.func @transform_2(%arg0: i32) -> (i32, i32, i32) {
    %c0_i32 = arith.constant 0 : i32
    %c0_i32_0 = arith.constant 0 : i32
    %c0_i32_1 = arith.constant 0 : i32
    return %arg0, %c0_i32, %c0_i32_0 : i32, i32, i32
  }
}

</mosaic_0001>

<sc_bundles>
// kernel: kernel.4.cloned.1.call-start
scs
__scs_entry_jumppad:
0x0: {  	(pc) =	sbr.rel $0x88, $3  }
0x1: {  	(tag) =	ssettag $0x0;
	lr =	simm.s32 $0x1  }
0x2: {  	[smem:$0x3F9E] =	sst lr;
	_ =	strace $0xD0000000  }
0x3: {  	_ = 	snop  }
0x4: {  	_ = 	snop  }
0x5: {  	_ = 	snop  }
0x6: {  	_ = 	snop  }
0x7: {  	_ = 	snop  }
__scs_overlays_trampoline_lowered:
0x8: {  	[smem:$0x3FAD] =	sst s0  }
0x9: {  	[smem:$0x3FAE] =	sst s1  }
0xa: {  	[smem:$0x3FAF] =	sst s2  }
0xb: {  	[smem:$0x3FB0] =	sst s3  }
0xc: {  	[smem:$0x3FB1] =	sst s4  }
0xd: {  	[smem:$0x3FB2] =	sst s5  }
0xe: {  	[smem:$0x3FB3] =	sst s6  }
0xf: {  	[smem:$0x3FB4] =	sst s7  }
0x10: {  	[smem:$0x3FB5] =	sst s8  }
0x11: {  	[smem:$0x3FB6] =	sst s9;
	s0 =	simm.s32 @!p0 $0x0  }
0x12: {  	s1 =	sld [smem:$0x3F9C];
	s0 =	simm.s32 @p0 $0x1  }
0x13: {  	[smem:$0x3FB7] =	sst s0;
	s0 =	simm.s32 @!p1 $0x0  }
0x14: {  	s2 =	sld [smem:$0x3F9B];
	s0 =	simm.s32 @p1 $0x1  }
0x15: {  	[smem:$0x3FB8] =	sst s0;
	s0 =	simm.s32 @!p2 $0x0  }
0x16: {  	s3 =	sld [smem:$0x3FDB];
	s0 =	simm.s32 @p2 $0x1  }
0x17: {  	s4 =	simm.s32 $0x1BF5;
	[smem:$0x3FBA] =	sst s0  }
0x18: {  	s0 =	sld [smem:$0x3F9D];
	_ =	swait.ge [sflag:s4], $0x0  }
0x19: {  	s7 =	sld [smem:$0x3F9E]  }
0x1a: {  	s8 =	sadd.s32 $0xFFFFE003, lr  }
0x1b: {  	s9 =	sadd.s32 $0xFFFFFEF7, lr;
	s5 =	simm.s32 $0xFFFFFFFF;
	p2 =	slt.u32 s8, $0xFFFFF086  }
0x1c: {  	p1 =	slt.u32 s9, $0xF7A;
	s5 =	simm.s32 @!p2 $0x0  }
0x1d: {  	s5 =	simm.s32 @p1 $0x1;
	p0 =	seq.s32 s7, s2  }
0x1e: {  	s7 =	smul.u32 @!p0 $0xF7A, s2;
	p2 =	seq.s32 @!p0 s5, $0x0  }
0x1f: {  	s9 =	smul.u32 $0xF7A, s1;
	s8 =	simm.s32 @!p0 $0x1BF5;
	p2 =	por !p2, p0  }
0x20: {  	[sflag:s8] =	ssyncset.s32 @!p0 $0xFFFFF086;
	s6 =	sadd.s32 @!p0 s3, s7;
	s7 =	simm.s32 @!p0 $0x108  }
0x21: {  	s3 =	sadd.s32 s3, s9;
	s6 =	sadd.s32 @!p0 $0x88, s6;
	s7 =	simm.s32 @p2 $0x1082  }
0x22: {  	[simem:s7], [sflag:s8] =	dma.local @!p0 [hbm:s6], $0xF7A  }
0x23: {  	s9 =	sor.u32 $0xD0000000, s2;
	s6 =	simm.s32 $0x108;
	_ =	swait.ge @!p0 [sflag:s8], $0x0  }
0x24: {  	s3 =	sadd.s32 $0x88, s3;
	s6 =	simm.s32 @!p1 $0x1082;
	[sflag:s4] =	ssyncset.s32 $0xFFFFF086  }
0x25: {  	[simem:s6], [sflag:s4] =	dma.local [hbm:s3], $0xF7A  }
0x26: {  	[smem:$0x3F9E] =	sst s1;
	(tag) =	ssettag s2;
	_ =	strace s9  }
0x27: {  	s1 =	sld [smem:$0x3FAE]  }
0x28: {  	s2 =	sld [smem:$0x3FAF]  }
0x29: {  	s4 =	sld [smem:$0x3FB1]  }
0x2a: {  	p0 =	seq.s32 s5, $0x0;
	s5 =	sld [smem:$0x3FB2]  }
0x2b: {  	s6 =	sld [smem:$0x3FB3]  }
0x2c: {  	s7 =	sld [smem:$0x3FB4]  }
0x2d: {  	s3 =	simm.s32 $0x108;
	s8 =	sld [smem:$0x3FB5]  }
0x2e: {  	s3 =	simm.s32 @!p0 $0x1082;
	s9 =	sld [smem:$0x3FB6]  }
0x2f: {  	lr =	sadd.s32 s0, s3;
	s0 =	sld [smem:$0x3FAD]  }
0x30: {  	s3 =	sld [smem:$0x3FB0]  }
0x31: {  	[smem:$0x3FB9] =	sst s10  }
0x32: {  	s10 =	sld [smem:$0x3FB7];
	_ =	sdelay $0x3  }
0x33: {  	p0 =	seq.s32 s10, $0x1;
	s10 =	sld [smem:$0x3FB9];
	_ =	sdelay $0x3  }
0x34: {  	[smem:$0x3FB9] =	sst s10  }
0x35: {  	s10 =	sld [smem:$0x3FB8];
	_ =	sdelay $0x3  }
0x36: {  	p1 =	seq.s32 s10, $0x1;
	s10 =	sld [smem:$0x3FB9];
	_ =	sdelay $0x3  }
0x37: {  	[smem:$0x3FB9] =	sst s10  }
0x38: {  	s10 =	sld [smem:$0x3FBA]  }
0x39: {  	_ = 	snop;
	(pc) =	sbr.ind lr, $3  }
0x3a: {  	_ = 	snop  }
0x3b: {  	_ = 	snop  }
0x3c: {  	p2 =	seq.s32 s10, $0x1;
	s10 =	sld [smem:$0x3FB9]  }
0x3d: {  	_ =	shalt  }
0x3e: {  	_ =	shalt  }
0x3f: {  	_ =	shalt  }
0x40: {  	_ =	shalt  }
0x41: {  	_ =	shalt  }
0x42: {  	_ =	shalt  }
0x43: {  	_ =	shalt  }
0x44: {  	_ =	shalt  }
0x45: {  	_ =	shalt  }
0x46: {  	_ =	shalt  }
0x47: {  	_ =	shalt  }
0x48: {  	_ =	shalt  }
0x49: {  	_ =	shalt  }
0x4a: {  	_ =	shalt  }
0x4b: {  	_ =	shalt  }
0x4c: {  	_ =	shalt  }
0x4d: {  	_ =	shalt  }
0x4e: {  	_ =	shalt  }
0x4f: {  	_ =	shalt  }
0x50: {  	_ =	shalt  }
0x51: {  	_ =	shalt  }
0x52: {  	_ =	shalt  }
0x53: {  	_ =	shalt  }
0x54: {  	_ =	shalt  }
0x55: {  	_ =	shalt  }
0x56: {  	_ =	shalt  }
0x57: {  	_ =	shalt  }
0x58: {  	_ =	shalt  }
0x59: {  	_ =	shalt  }
0x5a: {  	_ =	shalt  }
0x5b: {  	_ =	shalt  }
0x5c: {  	_ =	shalt  }
0x5d: {  	_ =	shalt  }
0x5e: {  	_ =	shalt  }
0x5f: {  	_ =	shalt  }
0x60: {  	_ =	shalt  }
0x61: {  	_ =	shalt  }
0x62: {  	_ =	shalt  }
0x63: {  	_ =	shalt  }
0x64: {  	_ =	shalt  }
0x65: {  	_ =	shalt  }
0x66: {  	_ =	shalt  }
0x67: {  	_ =	shalt  }
0x68: {  	_ =	shalt  }
0x69: {  	_ =	shalt  }
0x6a: {  	_ =	shalt  }
0x6b: {  	_ =	shalt  }
0x6c: {  	_ =	shalt  }
0x6d: {  	_ =	shalt  }
0x6e: {  	_ =	shalt  }
0x6f: {  	_ =	shalt  }
0x70: {  	_ =	shalt  }
0x71: {  	_ =	shalt  }
0x72: {  	_ =	shalt  }
0x73: {  	_ =	shalt  }
0x74: {  	_ =	shalt  }
0x75: {  	_ =	shalt  }
0x76: {  	_ =	shalt  }
0x77: {  	_ =	shalt  }
0x78: {  	_ =	shalt  }
0x79: {  	_ =	shalt  }
0x7a: {  	_ =	shalt  }
0x7b: {  	_ =	shalt  }
0x7c: {  	_ =	shalt  }
0x7d: {  	_ =	shalt  }
0x7e: {  	_ =	shalt  }
0x7f: {  	_ =	shalt  }
0x80: {  	_ =	shalt  }
0x81: {  	_ =	shalt  }
0x82: {  	_ =	shalt  }
0x83: {  	_ =	shalt  }
0x84: {  	_ =	shalt  }
0x85: {  	_ =	shalt  }
0x86: {  	_ =	shalt  }
0x87: {  	_ =	shalt  }
.Lfunc_end0:
.L_simem_size_0:
called_computation_lowered:
.L_overlay_start_0:
0x88: {  	s2 =	sld [smem:$0x3FD9]  }
0x89: {  	s3 =	sld [smem:$0x3FFE];
	_ =	sdelay $0x1  }
0x8a: {  	s1 =	srdreg.scid  }
0x8b: {  	s0 =	sand.u32 $0x1, s1  }
0x8c: {  	s17 =	sshll.u32 s0, $0xA;
	s2 =	sadd.s32 s3, s2  }
0x8d: {  	s2 =	sadd.s32 s2, s17  }
0x8e: {  	[smem:$0x3FC5] =	sst s2  }
0x8f: {  	_ = 	snop  }
0x90: {  	s2 =	sld [smem:$0x3FC9]  }
0x91: {  	s18 =	sld [smem:$0x3FD0];
	(tm) =	ssettm $0x1  }
0x92: {  	s4 =	sld [smem:$0x3FFB];
	_ =	sdelay $0x3  }
0x93: {  	_ =	strace s4  }
0x94: {  	s4 =	sld [smem:$0x3FFC];
	_ =	sdelay $0x3  }
0x95: {  	_ =	strace s4  }
0x96: {  	s4 =	sld [smem:$0x3FFD];
	_ =	sdelay $0x3  }
0x97: {  	_ =	strace s4  }
0x98: {  	_ =	strace $0x8FFFFFFF  }
0x99: {  	s19 =	sld [smem:$0x3FDB];
	_ =	sdelay $0x1  }
0x9a: {  	s5 =	simm.s32 $_scs_section_size  }
0x9b: {  	s6 =	simm.s32 $_size__tile_overlayer_lowered;
	s7 =	simm.s32 $_tile_overlayer_lowered  }
0x9c: {  	s22 =	simm.s32 $0x1BFF;
	s21 =	sshll.u32 s7, $0x1;
	s4 =	sadd.s32 s5, s19  }
0x9d: {  	s8 =	simm.s32 $0x0;
	s20 =	sshll.u32 s6, $0x1;
	s6 =	sadd.s32 s21, s4  }
0x9e: {  	[timem:s8], [sflag:s22] =	dma.local [hbm:s6], s20  }
0x9f: {  	_ =	swait.ge [sflag:s22], s20  }
0xa0: {  	s5 =	ssub.s32 $0x0, s20;
	[sflag:s22] =	ssyncset.done $0x0  }
0xa1: {  	[sflag:s22] =	ssyncadd.s32 s5;
	_ =	sdelay $0x1  }
0xa2: {  	s23 =	simm.s32 $0x1B8B  }
0xa3: {  	_ =	swait.ge [sflag:s23], $0x1  }
0xa4: {  	[sflag:s23] =	ssyncset.done $0x0  }
0xa5: {  	s25 =	simm.s32 $0x1B8E;
	s24 =	sld [smem:$0x3FFE];
	[sflag:s23] =	ssyncadd.s32 $0xFFFFFFFF  }
0xa6: {  	s26 =	simm.s32 $execute0_lowered;
	[smem:$0x3FD2] =	sst s25  }
0xa7: {  	s6 =	sshll.u32 s26, $0x1;
	_ =	strace $0x80000046;
	[dreg:$0x1] =	wrdreg $0xFFFFFFFF  }
0xa8: {  	s28 =	simm.s32 $_size_execute0_lowered;
	s4 =	sadd.s32 s4, s6;
	[dreg:$0x0] =	wrdreg $0x0  }
0xa9: {  	s6 =	sshll.u32 s28, $0x1;
	[dreg:$0x2] =	wrdreg s4  }
0xaa: {  	[dreg:$0x3] =	wrdreg s6  }
0xab: {  	[dreg:$0x4] =	wrdreg $0xC0  }
0xac: {  	_ =	task [dreg:s8], $0x5FFFF  }
0xad: {  	[dreg:$0x1] =	wrdreg $0xFFFFFFFF  }
0xae: {  	[dreg:$0x0] =	wrdreg $0x60  }
0xaf: {  	[dreg:$0x2] =	wrdreg s2  }
0xb0: {  	[dreg:$0x3] =	wrdreg s24  }
0xb1: {  	[dreg:$0x4] =	wrdreg s18  }
0xb2: {  	[dreg:$0x5] =	wrdreg $0x9  }
0xb3: {  	_ =	task.clear_ibuf [dreg:s8], $0x6FFFF;
	_ =	strace $0x90000046  }
0xb4: {  	s29 =	simm.s32 $0x9;
	_ =	strace $0x80000048  }
0xb5: {  	_ =	swait.ge [sflag:s29], $0x1  }
0xb6: {  	[sflag:s29] =	ssyncadd.s32 $0xFFFFFFFF  }
0xb7: {  	_ =	strace $0x90000048  }
0xb8: {  	_ =	sfence  }
0xb9: {  	s30 =	sld [smem:$0x0];
	_ =	sdelay $0x2  }
0xba: {  	s31 =	sshll.u32 s1, $0xD;
	s1 =	sshrl.u32 s1, $0x2  }
0xbb: {  	s3 =	sand.u32 $0x4000, s31;
	s1 =	sadd.s32 s1, s30  }
0xbc: {  	s0 =	sor.u32 s3, s0;
	s1 =	sshll.u32 s1, $0x11  }
0xbd: {  	s0 =	sor.u32 s1, s0  }
0xbe: {  	s0 =	sadd.s32 $0x8F2B, s0  }
0xbf: {  	[sflag:s0] =	ssyncadd.remote.s32 $0x1  }
0xc0: {  	_ =	sfence.sel $0xFFFF  }
0xc1: {  	[dreg:$0x0] =	wrdreg $0xFFFFFFFF;
	(pc) =	sbr.abs _section_cstart, $3  }
0xc2: {  	[dreg:$0x1] =	wrdreg $0xFFFFFFFF  }
0xc3: {  	_ =	task.clear_ibuf [dreg:s8], $0x2FFFF;
	_ =	strace $0x9FFFFFFF  }
0xc4: {  	(tm) =	ssettm $0x7FFFFFFF  }
0xc5: {  	_ =	shalt  }
tec
execute0_lowered:
.L_overlay_start_1:
0x0: {  	(tag) =	ssettag $0x1  }
0x1: {  	s2 =	stileid.u32  }
0x2: {  	p0 =	sgt.u32 s2, $0x3  }
.Ltmp0:
0x3: {  	s1 =	rddreg [dreg:$0x0];
	(pc) =	sbr.rel @p0 .LBB2_5-.Ltmp0, $4  }
0x4: {  	s4 =	rddreg [dreg:$0x1]  }
0x5: {  	s7 =	rddreg [dreg:$0x2];
	s3 =	simm.s32 $0x0  }
0x6: {  	[smem:$0x7FF] =	sst s3  }
0x7: {  	s0 =	rddreg [dreg:$0x3];
	_ =	strace $0x80000047  }
0x8: {  	s5 =	srdreg.scid;
	s31 =	sshll.u32 s2, $0x1  }
0x9: {  	s8 =	sadd.s32 $0x400, s4;
	s4 =	sadd.s32 $0x100, s1;
	s13 =	simm.s32 $0x1080  }
0xa: {  	s14 =	simm.s32 $0x1880;
	s15 =	simm.s32 $0x1;
	s16 =	simm.s32 $0x400  }
0xb: {  	s17 =	simm.s32 $0x2080;
	s6 =	sand.u32 $0x1, s5;
	s5 =	sadd.s32 $0x200, s1  }
0xc: {  	s9 =	sor.u32 s6, s31;
	s10 =	ssub.s32 $0x2, s6;
	s6 =	sadd.s32 $0x300, s1  }
0xd: {  	v0 =	vlaneseq.u32;
	s11 =	sshll.u32 s9, $0x4;
	s12 =	sshrl.u32 s10, $0x1;
	s8 =	sadd.s32 s8, s9  }
0xe: {  	v1 =	vshrl.u32 v0, $0x3;
	s7 =	sadd.s32 s7, s11;
	s10 =	ssub.s32 s10, s12;
	s11 =	simm.s32 $0x80  }
0xf: {  	vm0 =	vmmov $0xffff;
	v0 =	vand.u32 $0x7, v0;
	v1 =	vmul.u32 $0x8, v1;
	s12 =	simm.s32 $0x880;
	s9 =	smax.u32 s10, $0x1;
	s10 =	simm.s32 $0x2  }
.LBB2_2:
0x10: {  	s18 =	simm.s32 $0x0  }
0x11: {  	[tilespmem:s18], [sflag:$0x2] =	stream.linear.gather [hbm4b:s8+s18], $0x8, $0x38;
	[tilespmem:$0x2480] =	vst v63  }
0x12: {  	_ =	swait.ge [sflag:s10], $0x8  }
0x13: {  	[sflag:s10] =	ssyncset.done $0x0  }
0x14: {  	[sflag:s10] =	ssyncadd.s32 $0xFFFFFFF8  }
0x15: {  	v2 =	vld.msk [tilespmem:$0x0], $0xff;
	_ =	sdelay $0x4  }
0x16: {  	v3 =	vshll.u32 v2, $0x3  }
0x17: {  	v2 =	vand.u32 $0x7, v2;
	v3 =	vand.u32 $0xFFFFFFC0, v3  }
0x18: {  	v2 =	vor.u32 v2, v3  }
0x19: {  	v2 =	vperm.xlane v2, v0;
	_ =	sdelay $0x1  }
0x1a: {  	v2 =	vadd.s32 v1, v2;
	_ =	sdelay $0x4  }
0x1b: {  	[tilespmem:s11], [sflag:$0x1] =	stream.indirect_vreg.gather [hbm4b:s1+s18], $0x80, v2, vm0, $0xb8;
	[tilespmem:$0x2480] =	vst v63  }
0x1c: {  	_ = 	snop  }
0x1d: {  	[tilespmem:s12], [sflag:$0x1] =	stream.indirect_vreg.gather [hbm4b:s4+s18], $0x80, v2, vm0, $0xb8;
	[tilespmem:$0x2480] =	vst v63  }
0x1e: {  	_ = 	snop  }
0x1f: {  	[tilespmem:s13], [sflag:$0x1] =	stream.indirect_vreg.gather [hbm4b:s5+s18], $0x80, v2, vm0, $0xb8;
	[tilespmem:$0x2480] =	vst v63  }
0x20: {  	_ = 	snop  }
0x21: {  	[tilespmem:s14], [sflag:$0x1] =	stream.indirect_vreg.gather [hbm4b:s6+s18], $0x80, v2, vm0, $0xb8;
	[tilespmem:$0x2480] =	vst v63  }
0x22: {  	_ =	swait.ge [sflag:s15], $0x2000  }
0x23: {  	s19 =	sand.u32 $0x70, s18;
	s18 =	sand.u32 $0x1C00, s18;
	[sflag:s15] =	ssyncset.done $0x0  }
0x24: {  	s18 =	sor.u32 s19, s18;
	[sflag:s15] =	ssyncadd.s32 $0xFFFFE000  }
0x25: {  	v2 =	vld [tilespmem:s18+$0x100]  }
0x26: {  	v3 =	vld [tilespmem:s18+$0x80];
	_ =	sdelay $0x1  }
0x27: {  	v4 =	vld [tilespmem:s18+$0x180];
	_ =	sdelay $0x1  }
0x28: {  	v5 =	vld [tilespmem:s18+$0x200]  }
0x29: {  	v2 =	vadd.f32 v2, v3  }
0x2a: {  	v3 =	vld [tilespmem:s18+$0x280]  }
0x2b: {  	v2 =	vadd.f32 v4, v2  }
0x2c: {  	v62 =	vld [tilespmem:s18+$0x300]  }
0x2d: {  	v2 =	vadd.f32 v5, v2  }
0x2e: {  	v63 =	vld [tilespmem:s18+$0x380]  }
0x2f: {  	v2 =	vadd.f32 v3, v2  }
0x30: {  	v3 =	vld [tilespmem:s18+$0x400]  }
0x31: {  	v2 =	vadd.f32 v62, v2;
	_ =	sdelay $0x1  }
0x32: {  	v2 =	vadd.f32 v63, v2;
	_ =	sdelay $0x1  }
0x33: {  	s31 =	simm.s32 $0x10;
	s19 =	simm.s32 $0x80;
	v2 =	vadd.f32 v3, v2  }
0x34: {  	s20 =	sand.u32 $0x1C00, s19;
	s18 =	sand.u32 $0x70, s31  }
0x35: {  	s21 =	sor.u32 s18, s20;
	s20 =	simm.s32 $0x20;
	s18 =	simm.s32 $0x2080;
	[tilespmem:s17+$0x0] =	vst v2  }
.LBB2_3:
0x36: {  	p0 =	sne.s32 s20, $0x3F0;
	v2 =	vld [tilespmem:s21+$0x100]  }
0x37: {  	v3 =	vld [tilespmem:s21+$0x80];
	_ =	sdelay $0x1  }
0x38: {  	v4 =	vld [tilespmem:s21+$0x180];
	_ =	sdelay $0x1  }
0x39: {  	v5 =	vld [tilespmem:s21+$0x200]  }
0x3a: {  	v2 =	vadd.f32 v2, v3  }
0x3b: {  	v3 =	vld [tilespmem:s21+$0x280]  }
0x3c: {  	v2 =	vadd.f32 v4, v2  }
0x3d: {  	v4 =	vld [tilespmem:s21+$0x300]  }
0x3e: {  	v2 =	vadd.f32 v5, v2  }
0x3f: {  	v5 =	vld [tilespmem:s21+$0x380]  }
0x40: {  	v2 =	vadd.f32 v3, v2  }
0x41: {  	v3 =	vld [tilespmem:s21+$0x400]  }
0x42: {  	v2 =	vadd.f32 v4, v2;
	_ =	sdelay $0x1  }
.Ltmp1:
0x43: {  	v2 =	vadd.f32 v5, v2;
	(pc) =	sbr.rel @p0 .LBB2_3-.Ltmp1, $4  }
0x44: {  	_ = 	snop  }
0x45: {  	s19 =	sadd.s32 $0x80, s19;
	v2 =	vadd.f32 v3, v2  }
0x46: {  	s18 =	sadd.s32 $0x10, s18;
	s22 =	sand.u32 $0x1C00, s19;
	s21 =	sand.u32 $0x70, s20  }
0x47: {  	s20 =	sadd.s32 $0x10, s20;
	s21 =	sor.u32 s21, s22;
	[tilespmem:s18+$0x0] =	vst v2  }
0x48: {  	v2 =	vld [tilespmem:s21+$0x100]  }
0x49: {  	v3 =	vld [tilespmem:s21+$0x80];
	_ =	sdelay $0x1  }
0x4a: {  	v4 =	vld [tilespmem:s21+$0x180];
	_ =	sdelay $0x1  }
0x4b: {  	v5 =	vld [tilespmem:s21+$0x200]  }
0x4c: {  	v2 =	vadd.f32 v2, v3  }
0x4d: {  	v3 =	vld [tilespmem:s21+$0x280]  }
0x4e: {  	v2 =	vadd.f32 v4, v2  }
0x4f: {  	v62 =	vld [tilespmem:s21+$0x300]  }
0x50: {  	v2 =	vadd.f32 v5, v2  }
0x51: {  	v63 =	vld [tilespmem:s21+$0x380]  }
0x52: {  	v2 =	vadd.f32 v3, v2  }
0x53: {  	v3 =	vld [tilespmem:s21+$0x400]  }
0x54: {  	v2 =	vadd.f32 v62, v2;
	_ =	sdelay $0x1  }
0x55: {  	v2 =	vadd.f32 v63, v2;
	_ =	sdelay $0x1  }
0x56: {  	s3 =	sadd.s32 $0x1, s3;
	v2 =	vadd.f32 v3, v2  }
0x57: {  	s18 =	sadd.s32 $0x10, s18;
	p0 =	sne.s32 s3, s9  }
.Ltmp2:
0x58: {  	[tilespmem:s18+$0x0] =	vst v2;
	(pc) =	sbr.rel @p0 .LBB2_2-.Ltmp2, $4  }
0x59: {  	[hbm4b:s7+s11] =	stream.strided.scatter [tilespmem:s17], [sflag:$0x2], $0x400, s16, s11, $0x38;
	[tilespmem:$0x2480] =	vst v63  }
0x5a: {  	_ =	swait.ge [sflag:s10], $0x400  }
0x5b: {  	[sflag:s10] =	ssyncset.done $0x0  }
0x5c: {  	[sflag:s10] =	ssyncadd.s32 $0xFFFFFC00  }
.LBB2_5:
0x5d: {  	_ =	sfence.sel $0x180000  }
0x5e: {  	[bflag:$0x0] =	sbarrier.arrive $0xFFFF  }
0x5f: {  	p0 =	sne.s32 s2, $0x0;
	_ =	strace $0x90000047  }
0x60: {  	s0 =	sadd.s32 @!p0 $0x100000, s0;
	[bflag:$0x2] =	sbarrier.arrive $0xFFFF  }
0x61: {  	[sflag:s0] =	ssyncadd.tile.s32 @!p0 $0x1;
	_ =	shalt  }
.Lfunc_end2:
_tile_overlayer_lowered:
.L_overlay_start_2:
0x62: {  	(tag) =	ssettag $0x2  }
0x63: {  	s0 =	rddreg [dreg:$0x0];
	s2 =	stileid.u32  }
0x64: {  	s1 =	rddreg [dreg:$0x1];
	p0 =	sne.s32 s2, $0x0  }
0x65: {  	s3 =	rddreg [dreg:$0x2];
	[bflag:$0x3] =	sbarrier.arrive $0xFFFF;
	s2 =	simm.s32 @!p0 $0x1C02  }
0x66: {  	[timem:s3], [sflag:s2] =	dma.local @!p0 [hbm:s0], s1  }
0x67: {  	s0 =	simm.s32 @!p0 $0x2  }
0x68: {  	_ =	swait.ge @!p0 [sflag:s0], s1  }
0x69: {  	s1 =	ssub.s32 @!p0 $0x0, s1;
	[sflag:s0] =	ssyncset.done @!p0 $0x0  }
0x6a: {  	[sflag:s0] =	ssyncadd.s32 @!p0 s1  }
0x6b: {  	[bflag:$0x3] =	sbarrier.arrive $0xFFFF  }
0x6c: {  	_ =	shalt  }

</sc_bundles>
